<compile_context>
chip_gen: v7x
topology: tpu7x:2x2x1
jax: 0.10.2.dev20260603
libtpu: 0.0.44.dev20260713+nightly
codegen_flags: <defaults>
</compile_context>

<pallas_src>
import functools

import jax
import jax.numpy as jnp
from jax import lax
from jax.experimental import pallas as pl
from jax.experimental.pallas import tpu as pltpu
from jax.experimental.pallas import tpu_sc as plsc

NC = 2
NS = 16
NW = NC * NS

C = 512
NB = 2


@functools.partial(jax.jit, static_argnames=("n_pairs", "n_h", "n_b"))
def _sc_gather(W, idx, n_pairs, n_h, n_b):
    btot = idx.shape[0]
    d = W.shape[1]
    cb = n_b // C

    mesh = plsc.VectorSubcoreMesh(core_axis_name="c", subcore_axis_name="s")

    @functools.partial(
        pl.kernel,
        out_type=jax.ShapeDtypeStruct((n_h, n_b, d), jnp.float32),
        mesh=mesh,
        scratch_types=[
            pltpu.VMEM((NB, C), jnp.int32),
            pltpu.VMEM((NB, C, d), jnp.float32),
            pltpu.SemaphoreType.DMA((NB,)),
            pltpu.SemaphoreType.DMA((NB,)),
        ],
        compiler_params=pltpu.CompilerParams(use_tc_tiling_on_sc=False),
    )
    def body(table_hbm, idx_hbm, out_hbm, idx_v, rows_v, gsem, osem):
        wid = lax.axis_index("s") * NC + lax.axis_index("c")

        def pair(p, carry):
            c0 = (p * NB) * NW + wid
            chunks = [c0, c0 + NW]
            for b in range(NB):
                c = chunks[b]
                pltpu.sync_copy(idx_hbm.at[pl.ds(c * C, C)], idx_v.at[b])
                pltpu.make_async_copy(
                    table_hbm.at[idx_v.at[b]], rows_v.at[b], gsem.at[b]
                ).start()
            for b in range(NB):
                c = chunks[b]
                pltpu.make_async_copy(
                    table_hbm.at[idx_v.at[b]], rows_v.at[b], gsem.at[b]
                ).wait()
                pltpu.make_async_copy(
                    rows_v.at[b],
                    out_hbm.at[c // cb, pl.ds((c % cb) * C, C)],
                    osem.at[b],
                ).start()
            for b in range(NB):
                c = chunks[b]
                pltpu.make_async_copy(
                    rows_v.at[b],
                    out_hbm.at[c // cb, pl.ds((c % cb) * C, C)],
                    osem.at[b],
                ).wait()
            return carry

        lax.fori_loop(0, n_pairs, pair, 0)

    return body(W, idx)


def kernel(token_ids, W):
    b, h = token_ids.shape
    d = W.shape[1]
    idx = token_ids.T.reshape(-1).astype(jnp.int32)
    btot = idx.shape[0]
    n_pairs = btot // (NW * NB * C)
    out = _sc_gather(W, idx, n_pairs, h, b)
    return out.transpose(1, 0, 2)

# --- scband reference (transcript-rebuilt; emitter-appended) ---
"""Pipeline reference for scband-embedding-39642548142453 (READ-ONLY COPY).

The authoritative reference and input builder live on the scoring server;
editing this copy changes nothing except your own understanding.
"""

import jax, jax.numpy as jnp
import numpy as np

NUM_EMBEDDINGS = 1000000
EMBEDDING_DIM = 64
BATCH = 16384
HIST_LEN = 50

def setup_inputs(seed: int = 0) -> dict:
    key = jax.random.key(seed)
    k_idx, k_w = jax.random.split(key)
    token_ids = jax.random.randint(k_idx, (BATCH, HIST_LEN), 0, NUM_EMBEDDINGS, dtype=jnp.int64 if jax.config.jax_enable_x64 else jnp.int32)
    # trunc_normal init with sigma_sq=1 -> std=1, truncated at +/-3*sigma
    W = jax.random.truncated_normal(k_w, -3.0, 3.0, (NUM_EMBEDDINGS, EMBEDDING_DIM), dtype=jnp.float32)
    return {"token_ids": token_ids, "W": W}

def reference(token_ids, W):
    # Faithful translation of: return self.W[token_ids]
    return jnp.take(W, token_ids, axis=0)

if __name__ == "__main__":
    import jax
    _d = setup_inputs()
    print(jax.jit(kernel)(*tuple(_d.values())))

</pallas_src>

<mosaic_0001>
#map = affine_map<(d0, d1) -> (0, 0)>
#map1 = affine_map<(d0, d1) -> (0)>
#map2 = affine_map<(d0, d1) -> (0, 0, 0)>
module attributes {stable_mosaic.version = 14 : i64} {
  func.func @body(%arg0: i32, %arg1: i32, %arg2: memref<1000000x64xf32, #tpu.memory_space<hbm>>, %arg3: memref<819200xi32, #tpu.memory_space<hbm>>, %arg4: memref<50x16384x64xf32, #tpu.memory_space<hbm>>, %arg5: memref<2x512xi32, #tpu.memory_space<vmem>>, %arg6: memref<2x512x64xf32, #tpu.memory_space<vmem>>, %arg7: memref<2x!tpu.dma_semaphore, #tpu.memory_space<semaphore_mem>>, %arg8: memref<2x!tpu.dma_semaphore, #tpu.memory_space<semaphore_mem>>) attributes {dimension_semantics = [#tpu.dimension_semantics<core_parallel>, #tpu.dimension_semantics<subcore_parallel>], iteration_bounds = array<i64: 2, 16>, scalar_prefetch = 0 : i64, scratch_operands = 4 : i64, tpu.core_type = #tpu.core_type<sc_vector_subcore>, window_params = [{transform_indices = #map}, {transform_indices = #map1}, {transform_indices = #map2}]} {
    %mul3A = arith.constant 2 : i32
    %mul3A_0 = arith.muli %arg1, %mul3A : i32
    %add3A = arith.addi %mul3A_0, %arg0 : i32
    %scan3A = arith.constant 0 : i32
    %scan3A_1 = arith.constant 0 : i32
    %scan3A_2 = arith.constant 25 : i32
    %scan3A_3 = arith.addi %scan3A_1, %scan3A_2 : i32
    %scan3A_4 = arith.constant 1 : i32
    scf.for %scan3A_6 = %scan3A_1 to %scan3A_3 step %scan3A_4  : i32 {
      %mul3A_7 = arith.constant 2 : i32
      %mul3A_8 = arith.muli %scan3A_6, %mul3A_7 : i32
      %mul3A_9 = arith.constant 32 : i32
      %mul3A_10 = arith.muli %mul3A_8, %mul3A_9 : i32
      %add3A_11 = arith.addi %mul3A_10, %add3A : i32
      %add3A_12 = arith.constant 32 : i32
      %add3A_13 = arith.addi %add3A_11, %add3A_12 : i32
      %mul3A_14 = arith.constant 512 : i32
      %mul3A_15 = arith.muli %add3A_11, %mul3A_14 : i32
      %run_scoped3A = arith.constant 0 : i32
      "tpu.region"() ({
        %run_scoped3A_307 = tpu.sem_alloc : memref<!tpu.dma_semaphore, #tpu.memory_space<semaphore_mem>>
        %dma_start3A_308 = arith.constant 0 : i32
        %dma_start3A_309 = tpu.memref_slice %arg5[%run_scoped3A, %dma_start3A_308] : memref<2x512xi32, #tpu.memory_space<vmem>> -> memref<1x512xi32, #tpu.memory_space<vmem>>
        %dma_start3A_310 = tpu.memref_squeeze %dma_start3A_309 : memref<1x512xi32, #tpu.memory_space<vmem>> -> memref<512xi32, #tpu.memory_space<vmem>>
        %dma_start3A_311 = tpu.memref_slice %arg3[%mul3A_15] : memref<819200xi32, #tpu.memory_space<hbm>> -> memref<512xi32, #tpu.memory_space<hbm>>
        %dma_start3A_312 = arith.constant 0 : i32
        %dma_start3A_313 = tpu.memref_slice %arg5[%run_scoped3A, %dma_start3A_312] : memref<2x512xi32, #tpu.memory_space<vmem>> -> memref<1x512xi32, #tpu.memory_space<vmem>>
        %dma_start3A_314 = tpu.memref_squeeze %dma_start3A_313 : memref<1x512xi32, #tpu.memory_space<vmem>> -> memref<512xi32, #tpu.memory_space<vmem>>
        %dma_start3A_315 = tpu.memref_slice %arg3[%mul3A_15] : memref<819200xi32, #tpu.memory_space<hbm>> -> memref<512xi32, #tpu.memory_space<hbm>>
        tpu.enqueue_dma source(%dma_start3A_315 : memref<512xi32, #tpu.memory_space<hbm>>) target(%dma_start3A_314 : memref<512xi32, #tpu.memory_space<vmem>>) target_semaphore(%run_scoped3A_307 : memref<!tpu.dma_semaphore, #tpu.memory_space<semaphore_mem>>)
        %dma_wait3A_316 = arith.constant 0 : i32
        %dma_wait3A_317 = tpu.memref_slice %arg5[%run_scoped3A, %dma_wait3A_316] : memref<2x512xi32, #tpu.memory_space<vmem>> -> memref<1x512xi32, #tpu.memory_space<vmem>>
        %dma_wait3A_318 = tpu.memref_squeeze %dma_wait3A_317 : memref<1x512xi32, #tpu.memory_space<vmem>> -> memref<512xi32, #tpu.memory_space<vmem>>
        %dma_wait3A_319 = tpu.memref_slice %arg3[%mul3A_15] : memref<819200xi32, #tpu.memory_space<hbm>> -> memref<512xi32, #tpu.memory_space<hbm>>
        %dma_wait3A_320 = arith.constant 0 : i32
        %dma_wait3A_321 = tpu.memref_slice %arg5[%run_scoped3A, %dma_wait3A_320] : memref<2x512xi32, #tpu.memory_space<vmem>> -> memref<1x512xi32, #tpu.memory_space<vmem>>
        %dma_wait3A_322 = tpu.memref_squeeze %dma_wait3A_321 : memref<1x512xi32, #tpu.memory_space<vmem>> -> memref<512xi32, #tpu.memory_space<vmem>>
        %dma_wait3A_323 = tpu.memref_slice %arg3[%mul3A_15] : memref<819200xi32, #tpu.memory_space<hbm>> -> memref<512xi32, #tpu.memory_space<hbm>>
        tpu.wait_dma2 semaphore(%run_scoped3A_307 : memref<!tpu.dma_semaphore, #tpu.memory_space<semaphore_mem>>) src(%dma_wait3A_323 : memref<512xi32, #tpu.memory_space<hbm>>) dst(%dma_wait3A_322 : memref<512xi32, #tpu.memory_space<vmem>>)
        tpu.yield
      }) : () -> ()
      %dma_start3A = arith.constant 0 : i32
      %dma_start3A_16 = arith.constant 0 : i32
      %dma_start3A_17 = arith.constant 0 : i32
      %dma_start3A_18 = arith.constant 0 : i32
      %dma_start3A_19 = arith.constant 0 : i32
      %dma_start3A_20 = tpu.memref_slice %arg6[%dma_start3A_16, %dma_start3A_18, %dma_start3A_19] : memref<2x512x64xf32, #tpu.memory_space<vmem>> -> memref<1x512x64xf32, #tpu.memory_space<vmem>>
      %dma_start3A_21 = tpu.memref_squeeze %dma_start3A_20 : memref<1x512x64xf32, #tpu.memory_space<vmem>> -> memref<512x64xf32, #tpu.memory_space<vmem>>
      %dma_start3A_22 = arith.constant 0 : i32
      %dma_start3A_23 = tpu.memref_slice %arg5[%dma_start3A, %dma_start3A_22] : memref<2x512xi32, #tpu.memory_space<vmem>> -> memref<1x512xi32, #tpu.memory_space<vmem>>
      %dma_start3A_24 = tpu.memref_squeeze %dma_start3A_23 : memref<1x512xi32, #tpu.memory_space<vmem>> -> memref<512xi32, #tpu.memory_space<vmem>>
      %dma_start3A_25 = arith.constant 0 : i32
      %dma_start3A_26 = arith.constant 0 : i32
      %dma_start3A_27 = tpu.memref_slice %arg2[%dma_start3A_25, %dma_start3A_26] : memref<1000000x64xf32, #tpu.memory_space<hbm>> -> memref<1000000x64xf32, #tpu.memory_space<hbm>>
      %dma_start3A_28 = tpu.memref_slice %arg7[%dma_start3A_17] : memref<2x!tpu.dma_semaphore, #tpu.memory_space<semaphore_mem>> -> memref<1x!tpu.dma_semaphore, #tpu.memory_space<semaphore_mem>>
      %dma_start3A_29 = tpu.memref_squeeze %dma_start3A_28 : memref<1x!tpu.dma_semaphore, #tpu.memory_space<semaphore_mem>> -> memref<!tpu.dma_semaphore, #tpu.memory_space<semaphore_mem>>
      tpu.enqueue_indirect_dma source(%dma_start3A_27 : memref<1000000x64xf32, #tpu.memory_space<hbm>>) target(%dma_start3A_21 : memref<512x64xf32, #tpu.memory_space<vmem>>) offsets(%dma_start3A_24 : memref<512xi32, #tpu.memory_space<vmem>>) semaphore(%dma_start3A_29 : memref<!tpu.dma_semaphore, #tpu.memory_space<semaphore_mem>>)
      %mul3A_30 = arith.constant 512 : i32
      %mul3A_31 = arith.muli %add3A_13, %mul3A_30 : i32
      %run_scoped3A_32 = arith.constant 1 : i32
      "tpu.region"() ({
        %run_scoped3A_307 = tpu.sem_alloc : memref<!tpu.dma_semaphore, #tpu.memory_space<semaphore_mem>>
        %dma_start3A_308 = arith.constant 0 : i32
        %dma_start3A_309 = tpu.memref_slice %arg5[%run_scoped3A_32, %dma_start3A_308] : memref<2x512xi32, #tpu.memory_space<vmem>> -> memref<1x512xi32, #tpu.memory_space<vmem>>
        %dma_start3A_310 = tpu.memref_squeeze %dma_start3A_309 : memref<1x512xi32, #tpu.memory_space<vmem>> -> memref<512xi32, #tpu.memory_space<vmem>>
        %dma_start3A_311 = tpu.memref_slice %arg3[%mul3A_31] : memref<819200xi32, #tpu.memory_space<hbm>> -> memref<512xi32, #tpu.memory_space<hbm>>
        %dma_start3A_312 = arith.constant 0 : i32
        %dma_start3A_313 = tpu.memref_slice %arg5[%run_scoped3A_32, %dma_start3A_312] : memref<2x512xi32, #tpu.memory_space<vmem>> -> memref<1x512xi32, #tpu.memory_space<vmem>>
        %dma_start3A_314 = tpu.memref_squeeze %dma_start3A_313 : memref<1x512xi32, #tpu.memory_space<vmem>> -> memref<512xi32, #tpu.memory_space<vmem>>
        %dma_start3A_315 = tpu.memref_slice %arg3[%mul3A_31] : memref<819200xi32, #tpu.memory_space<hbm>> -> memref<512xi32, #tpu.memory_space<hbm>>
        tpu.enqueue_dma source(%dma_start3A_315 : memref<512xi32, #tpu.memory_space<hbm>>) target(%dma_start3A_314 : memref<512xi32, #tpu.memory_space<vmem>>) target_semaphore(%run_scoped3A_307 : memref<!tpu.dma_semaphore, #tpu.memory_space<semaphore_mem>>)
        %dma_wait3A_316 = arith.constant 0 : i32
        %dma_wait3A_317 = tpu.memref_slice %arg5[%run_scoped3A_32, %dma_wait3A_316] : memref<2x512xi32, #tpu.memory_space<vmem>> -> memref<1x512xi32, #tpu.memory_space<vmem>>
        %dma_wait3A_318 = tpu.memref_squeeze %dma_wait3A_317 : memref<1x512xi32, #tpu.memory_space<vmem>> -> memref<512xi32, #tpu.memory_space<vmem>>
        %dma_wait3A_319 = tpu.memref_slice %arg3[%mul3A_31] : memref<819200xi32, #tpu.memory_space<hbm>> -> memref<512xi32, #tpu.memory_space<hbm>>
        %dma_wait3A_320 = arith.constant 0 : i32
        %dma_wait3A_321 = tpu.memref_slice %arg5[%run_scoped3A_32, %dma_wait3A_320] : memref<2x512xi32, #tpu.memory_space<vmem>> -> memref<1x512xi32, #tpu.memory_space<vmem>>
        %dma_wait3A_322 = tpu.memref_squeeze %dma_wait3A_321 : memref<1x512xi32, #tpu.memory_space<vmem>> -> memref<512xi32, #tpu.memory_space<vmem>>
        %dma_wait3A_323 = tpu.memref_slice %arg3[%mul3A_31] : memref<819200xi32, #tpu.memory_space<hbm>> -> memref<512xi32, #tpu.memory_space<hbm>>
        tpu.wait_dma2 semaphore(%run_scoped3A_307 : memref<!tpu.dma_semaphore, #tpu.memory_space<semaphore_mem>>) src(%dma_wait3A_323 : memref<512xi32, #tpu.memory_space<hbm>>) dst(%dma_wait3A_322 : memref<512xi32, #tpu.memory_space<vmem>>)
        tpu.yield
      }) : () -> ()
      %dma_start3A_33 = arith.constant 1 : i32
      %dma_start3A_34 = arith.constant 1 : i32
      %dma_start3A_35 = arith.constant 1 : i32
      %dma_start3A_36 = arith.constant 0 : i32
      %dma_start3A_37 = arith.constant 0 : i32
      %dma_start3A_38 = tpu.memref_slice %arg6[%dma_start3A_34, %dma_start3A_36, %dma_start3A_37] : memref<2x512x64xf32, #tpu.memory_space<vmem>> -> memref<1x512x64xf32, #tpu.memory_space<vmem>>
      %dma_start3A_39 = tpu.memref_squeeze %dma_start3A_38 : memref<1x512x64xf32, #tpu.memory_space<vmem>> -> memref<512x64xf32, #tpu.memory_space<vmem>>
      %dma_start3A_40 = arith.constant 0 : i32
      %dma_start3A_41 = tpu.memref_slice %arg5[%dma_start3A_33, %dma_start3A_40] : memref<2x512xi32, #tpu.memory_space<vmem>> -> memref<1x512xi32, #tpu.memory_space<vmem>>
      %dma_start3A_42 = tpu.memref_squeeze %dma_start3A_41 : memref<1x512xi32, #tpu.memory_space<vmem>> -> memref<512xi32, #tpu.memory_space<vmem>>
      %dma_start3A_43 = arith.constant 0 : i32
      %dma_start3A_44 = arith.constant 0 : i32
      %dma_start3A_45 = tpu.memref_slice %arg2[%dma_start3A_43, %dma_start3A_44] : memref<1000000x64xf32, #tpu.memory_space<hbm>> -> memref<1000000x64xf32, #tpu.memory_space<hbm>>
      %dma_start3A_46 = tpu.memref_slice %arg7[%dma_start3A_35] : memref<2x!tpu.dma_semaphore, #tpu.memory_space<semaphore_mem>> -> memref<1x!tpu.dma_semaphore, #tpu.memory_space<semaphore_mem>>
      %dma_start3A_47 = tpu.memref_squeeze %dma_start3A_46 : memref<1x!tpu.dma_semaphore, #tpu.memory_space<semaphore_mem>> -> memref<!tpu.dma_semaphore, #tpu.memory_space<semaphore_mem>>
      tpu.enqueue_indirect_dma source(%dma_start3A_45 : memref<1000000x64xf32, #tpu.memory_space<hbm>>) target(%dma_start3A_39 : memref<512x64xf32, #tpu.memory_space<vmem>>) offsets(%dma_start3A_42 : memref<512xi32, #tpu.memory_space<vmem>>) semaphore(%dma_start3A_47 : memref<!tpu.dma_semaphore, #tpu.memory_space<semaphore_mem>>)
      %dma_wait3A = arith.constant 0 : i32
      %dma_wait3A_48 = arith.constant 0 : i32
      %dma_wait3A_49 = arith.constant 0 : i32
      %dma_wait3A_50 = arith.constant 0 : i32
      %dma_wait3A_51 = arith.constant 0 : i32
      %dma_wait3A_52 = tpu.memref_slice %arg6[%dma_wait3A_48, %dma_wait3A_50, %dma_wait3A_51] : memref<2x512x64xf32, #tpu.memory_space<vmem>> -> memref<1x512x64xf32, #tpu.memory_space<vmem>>
      %dma_wait3A_53 = tpu.memref_squeeze %dma_wait3A_52 : memref<1x512x64xf32, #tpu.memory_space<vmem>> -> memref<512x64xf32, #tpu.memory_space<vmem>>
      %dma_wait3A_54 = arith.constant 0 : i32
      %dma_wait3A_55 = tpu.memref_slice %arg5[%dma_wait3A, %dma_wait3A_54] : memref<2x512xi32, #tpu.memory_space<vmem>> -> memref<1x512xi32, #tpu.memory_space<vmem>>
      %dma_wait3A_56 = tpu.memref_squeeze %dma_wait3A_55 : memref<1x512xi32, #tpu.memory_space<vmem>> -> memref<512xi32, #tpu.memory_space<vmem>>
      %dma_wait3A_57 = arith.constant 0 : i32
      %dma_wait3A_58 = arith.constant 0 : i32
      %dma_wait3A_59 = tpu.memref_slice %arg2[%dma_wait3A_57, %dma_wait3A_58] : memref<1000000x64xf32, #tpu.memory_space<hbm>> -> memref<1000000x64xf32, #tpu.memory_space<hbm>>
      %dma_wait3A_60 = tpu.memref_slice %arg7[%dma_wait3A_49] : memref<2x!tpu.dma_semaphore, #tpu.memory_space<semaphore_mem>> -> memref<1x!tpu.dma_semaphore, #tpu.memory_space<semaphore_mem>>
      %dma_wait3A_61 = tpu.memref_squeeze %dma_wait3A_60 : memref<1x!tpu.dma_semaphore, #tpu.memory_space<semaphore_mem>> -> memref<!tpu.dma_semaphore, #tpu.memory_space<semaphore_mem>>
      tpu.wait_indirect_dma semaphore(%dma_wait3A_61 : memref<!tpu.dma_semaphore, #tpu.memory_space<semaphore_mem>>) src(%dma_wait3A_59 : memref<1000000x64xf32, #tpu.memory_space<hbm>>) dst(%dma_wait3A_53 : memref<512x64xf32, #tpu.memory_space<vmem>>)
      %jit3A = arith.constant 32 : i32
      %div3A = arith.divsi %add3A_11, %jit3A : i32
      %sign3A = arith.constant 0 : i32
      %sign3A_62 = arith.cmpi sgt, %add3A_11, %sign3A : i32
      %sign3A_63 = arith.extui %sign3A_62 : i1 to i32
      %sign3A_64 = arith.constant 0 : i32
      %sign3A_65 = arith.cmpi slt, %add3A_11, %sign3A_64 : i32
      %sign3A_66 = arith.extui %sign3A_65 : i1 to i32
      %sign3A_67 = arith.subi %sign3A_63, %sign3A_66 : i32
      %sign3A_68 = arith.constant 0 : i32
      %sign3A_69 = arith.cmpi sgt, %jit3A, %sign3A_68 : i32
      %sign3A_70 = arith.extui %sign3A_69 : i1 to i32
      %sign3A_71 = arith.constant 0 : i32
      %sign3A_72 = arith.cmpi slt, %jit3A, %sign3A_71 : i32
      %sign3A_73 = arith.extui %sign3A_72 : i1 to i32
      %sign3A_74 = arith.subi %sign3A_70, %sign3A_73 : i32
      %ne3A = arith.cmpi ne, %sign3A_67, %sign3A_74 : i32
      %rem3A = arith.remsi %add3A_11, %jit3A : i32
      %ne3A_75 = arith.constant 0 : i32
      %ne3A_76 = arith.cmpi ne, %rem3A, %ne3A_75 : i32
      %and3A = arith.andi %ne3A, %ne3A_76 : i1
      %sub3A = arith.constant 1 : i32
      %sub3A_77 = arith.subi %div3A, %sub3A : i32
      %select_n3A = arith.select %and3A, %sub3A_77, %div3A : i32
      %jit3A_78 = arith.constant 32 : i32
      %eq3A = arith.constant 0 : i32
      %eq3A_79 = arith.cmpi eq, %jit3A_78, %eq3A : i32
      %jit3A_80 = arith.constant 1 : i32
      %select_n3A_81 = arith.select %eq3A_79, %jit3A_80, %jit3A_78 : i32
      %rem3A_82 = arith.remsi %add3A_11, %select_n3A_81 : i32
      %ne3A_83 = arith.constant 0 : i32
      %ne3A_84 = arith.cmpi ne, %rem3A_82, %ne3A_83 : i32
      %lt3A = arith.constant 0 : i32
      %lt3A_85 = arith.cmpi slt, %rem3A_82, %lt3A : i32
      %lt3A_86 = arith.constant 0 : i32
      %lt3A_87 = arith.cmpi slt, %select_n3A_81, %lt3A_86 : i32
      %ne3A_88 = arith.xori %lt3A_85, %lt3A_87 : i1
      %and3A_89 = arith.andi %ne3A_88, %ne3A_84 : i1
      %add3A_90 = arith.addi %rem3A_82, %select_n3A_81 : i32
      %select_n3A_91 = arith.select %and3A_89, %add3A_90, %rem3A_82 : i32
      %mul3A_92 = arith.constant 512 : i32
      %mul3A_93 = arith.muli %select_n3A_91, %mul3A_92 : i32
      %dma_start3A_94 = arith.constant 0 : i32
      %dma_start3A_95 = arith.constant 0 : i32
      %dma_start3A_96 = arith.constant 0 : i32
      %dma_start3A_97 = arith.constant 0 : i32
      %dma_start3A_98 = tpu.memref_slice %arg6[%dma_start3A_94, %dma_start3A_96, %dma_start3A_97] : memref<2x512x64xf32, #tpu.memory_space<vmem>> -> memref<1x512x64xf32, #tpu.memory_space<vmem>>
      %dma_start3A_99 = tpu.memref_squeeze %dma_start3A_98 : memref<1x512x64xf32, #tpu.memory_space<vmem>> -> memref<512x64xf32, #tpu.memory_space<vmem>>
      %dma_start3A_100 = arith.constant 0 : i32
      %dma_start3A_101 = tpu.memref_slice %arg4[%select_n3A, %mul3A_93, %dma_start3A_100] : memref<50x16384x64xf32, #tpu.memory_space<hbm>> -> memref<1x512x64xf32, #tpu.memory_space<hbm>>
      %dma_start3A_102 = tpu.memref_squeeze %dma_start3A_101 : memref<1x512x64xf32, #tpu.memory_space<hbm>> -> memref<512x64xf32, #tpu.memory_space<hbm>>
      %dma_start3A_103 = tpu.memref_slice %arg8[%dma_start3A_95] : memref<2x!tpu.dma_semaphore, #tpu.memory_space<semaphore_mem>> -> memref<1x!tpu.dma_semaphore, #tpu.memory_space<semaphore_mem>>
      %dma_start3A_104 = tpu.memref_squeeze %dma_start3A_103 : memref<1x!tpu.dma_semaphore, #tpu.memory_space<semaphore_mem>> -> memref<!tpu.dma_semaphore, #tpu.memory_space<semaphore_mem>>
      %dma_start3A_105 = arith.constant 0 : i32
      %dma_start3A_106 = tpu.memref_slice %arg4[%select_n3A, %mul3A_93, %dma_start3A_105] : memref<50x16384x64xf32, #tpu.memory_space<hbm>> -> memref<1x512x64xf32, #tpu.memory_space<hbm>>
      %dma_start3A_107 = tpu.memref_squeeze %dma_start3A_106 : memref<1x512x64xf32, #tpu.memory_space<hbm>> -> memref<512x64xf32, #tpu.memory_space<hbm>>
      %dma_start3A_108 = arith.constant 0 : i32
      %dma_start3A_109 = arith.constant 0 : i32
      %dma_start3A_110 = tpu.memref_slice %arg6[%dma_start3A_94, %dma_start3A_108, %dma_start3A_109] : memref<2x512x64xf32, #tpu.memory_space<vmem>> -> memref<1x512x64xf32, #tpu.memory_space<vmem>>
      %dma_start3A_111 = tpu.memref_squeeze %dma_start3A_110 : memref<1x512x64xf32, #tpu.memory_space<vmem>> -> memref<512x64xf32, #tpu.memory_space<vmem>>
      tpu.enqueue_dma source(%dma_start3A_111 : memref<512x64xf32, #tpu.memory_space<vmem>>) target(%dma_start3A_107 : memref<512x64xf32, #tpu.memory_space<hbm>>) target_semaphore(%dma_start3A_104 : memref<!tpu.dma_semaphore, #tpu.memory_space<semaphore_mem>>)
      %dma_wait3A_112 = arith.constant 1 : i32
      %dma_wait3A_113 = arith.constant 1 : i32
      %dma_wait3A_114 = arith.constant 1 : i32
      %dma_wait3A_115 = arith.constant 0 : i32
      %dma_wait3A_116 = arith.constant 0 : i32
      %dma_wait3A_117 = tpu.memref_slice %arg6[%dma_wait3A_113, %dma_wait3A_115, %dma_wait3A_116] : memref<2x512x64xf32, #tpu.memory_space<vmem>> -> memref<1x512x64xf32, #tpu.memory_space<vmem>>
      %dma_wait3A_118 = tpu.memref_squeeze %dma_wait3A_117 : memref<1x512x64xf32, #tpu.memory_space<vmem>> -> memref<512x64xf32, #tpu.memory_space<vmem>>
      %dma_wait3A_119 = arith.constant 0 : i32
      %dma_wait3A_120 = tpu.memref_slice %arg5[%dma_wait3A_112, %dma_wait3A_119] : memref<2x512xi32, #tpu.memory_space<vmem>> -> memref<1x512xi32, #tpu.memory_space<vmem>>
      %dma_wait3A_121 = tpu.memref_squeeze %dma_wait3A_120 : memref<1x512xi32, #tpu.memory_space<vmem>> -> memref<512xi32, #tpu.memory_space<vmem>>
      %dma_wait3A_122 = arith.constant 0 : i32
      %dma_wait3A_123 = arith.constant 0 : i32
      %dma_wait3A_124 = tpu.memref_slice %arg2[%dma_wait3A_122, %dma_wait3A_123] : memref<1000000x64xf32, #tpu.memory_space<hbm>> -> memref<1000000x64xf32, #tpu.memory_space<hbm>>
      %dma_wait3A_125 = tpu.memref_slice %arg7[%dma_wait3A_114] : memref<2x!tpu.dma_semaphore, #tpu.memory_space<semaphore_mem>> -> memref<1x!tpu.dma_semaphore, #tpu.memory_space<semaphore_mem>>
      %dma_wait3A_126 = tpu.memref_squeeze %dma_wait3A_125 : memref<1x!tpu.dma_semaphore, #tpu.memory_space<semaphore_mem>> -> memref<!tpu.dma_semaphore, #tpu.memory_space<semaphore_mem>>
      tpu.wait_indirect_dma semaphore(%dma_wait3A_126 : memref<!tpu.dma_semaphore, #tpu.memory_space<semaphore_mem>>) src(%dma_wait3A_124 : memref<1000000x64xf32, #tpu.memory_space<hbm>>) dst(%dma_wait3A_118 : memref<512x64xf32, #tpu.memory_space<vmem>>)
      %jit3A_127 = arith.constant 32 : i32
      %div3A_128 = arith.divsi %add3A_13, %jit3A_127 : i32
      %sign3A_129 = arith.constant 0 : i32
      %sign3A_130 = arith.cmpi sgt, %add3A_13, %sign3A_129 : i32
      %sign3A_131 = arith.extui %sign3A_130 : i1 to i32
      %sign3A_132 = arith.constant 0 : i32
      %sign3A_133 = arith.cmpi slt, %add3A_13, %sign3A_132 : i32
      %sign3A_134 = arith.extui %sign3A_133 : i1 to i32
      %sign3A_135 = arith.subi %sign3A_131, %sign3A_134 : i32
      %sign3A_136 = arith.constant 0 : i32
      %sign3A_137 = arith.cmpi sgt, %jit3A_127, %sign3A_136 : i32
      %sign3A_138 = arith.extui %sign3A_137 : i1 to i32
      %sign3A_139 = arith.constant 0 : i32
      %sign3A_140 = arith.cmpi slt, %jit3A_127, %sign3A_139 : i32
      %sign3A_141 = arith.extui %sign3A_140 : i1 to i32
      %sign3A_142 = arith.subi %sign3A_138, %sign3A_141 : i32
      %ne3A_143 = arith.cmpi ne, %sign3A_135, %sign3A_142 : i32
      %rem3A_144 = arith.remsi %add3A_13, %jit3A_127 : i32
      %ne3A_145 = arith.constant 0 : i32
      %ne3A_146 = arith.cmpi ne, %rem3A_144, %ne3A_145 : i32
      %and3A_147 = arith.andi %ne3A_143, %ne3A_146 : i1
      %sub3A_148 = arith.constant 1 : i32
      %sub3A_149 = arith.subi %div3A_128, %sub3A_148 : i32
      %select_n3A_150 = arith.select %and3A_147, %sub3A_149, %div3A_128 : i32
      %jit3A_151 = arith.constant 32 : i32
      %eq3A_152 = arith.constant 0 : i32
      %eq3A_153 = arith.cmpi eq, %jit3A_151, %eq3A_152 : i32
      %jit3A_154 = arith.constant 1 : i32
      %select_n3A_155 = arith.select %eq3A_153, %jit3A_154, %jit3A_151 : i32
      %rem3A_156 = arith.remsi %add3A_13, %select_n3A_155 : i32
      %ne3A_157 = arith.constant 0 : i32
      %ne3A_158 = arith.cmpi ne, %rem3A_156, %ne3A_157 : i32
      %lt3A_159 = arith.constant 0 : i32
      %lt3A_160 = arith.cmpi slt, %rem3A_156, %lt3A_159 : i32
      %lt3A_161 = arith.constant 0 : i32
      %lt3A_162 = arith.cmpi slt, %select_n3A_155, %lt3A_161 : i32
      %ne3A_163 = arith.xori %lt3A_160, %lt3A_162 : i1
      %and3A_164 = arith.andi %ne3A_163, %ne3A_158 : i1
      %add3A_165 = arith.addi %rem3A_156, %select_n3A_155 : i32
      %select_n3A_166 = arith.select %and3A_164, %add3A_165, %rem3A_156 : i32
      %mul3A_167 = arith.constant 512 : i32
      %mul3A_168 = arith.muli %select_n3A_166, %mul3A_167 : i32
      %dma_start3A_169 = arith.constant 1 : i32
      %dma_start3A_170 = arith.constant 1 : i32
      %dma_start3A_171 = arith.constant 0 : i32
      %dma_start3A_172 = arith.constant 0 : i32
      %dma_start3A_173 = tpu.memref_slice %arg6[%dma_start3A_169, %dma_start3A_171, %dma_start3A_172] : memref<2x512x64xf32, #tpu.memory_space<vmem>> -> memref<1x512x64xf32, #tpu.memory_space<vmem>>
      %dma_start3A_174 = tpu.memref_squeeze %dma_start3A_173 : memref<1x512x64xf32, #tpu.memory_space<vmem>> -> memref<512x64xf32, #tpu.memory_space<vmem>>
      %dma_start3A_175 = arith.constant 0 : i32
      %dma_start3A_176 = tpu.memref_slice %arg4[%select_n3A_150, %mul3A_168, %dma_start3A_175] : memref<50x16384x64xf32, #tpu.memory_space<hbm>> -> memref<1x512x64xf32, #tpu.memory_space<hbm>>
      %dma_start3A_177 = tpu.memref_squeeze %dma_start3A_176 : memref<1x512x64xf32, #tpu.memory_space<hbm>> -> memref<512x64xf32, #tpu.memory_space<hbm>>
      %dma_start3A_178 = tpu.memref_slice %arg8[%dma_start3A_170] : memref<2x!tpu.dma_semaphore, #tpu.memory_space<semaphore_mem>> -> memref<1x!tpu.dma_semaphore, #tpu.memory_space<semaphore_mem>>
      %dma_start3A_179 = tpu.memref_squeeze %dma_start3A_178 : memref<1x!tpu.dma_semaphore, #tpu.memory_space<semaphore_mem>> -> memref<!tpu.dma_semaphore, #tpu.memory_space<semaphore_mem>>
      %dma_start3A_180 = arith.constant 0 : i32
      %dma_start3A_181 = tpu.memref_slice %arg4[%select_n3A_150, %mul3A_168, %dma_start3A_180] : memref<50x16384x64xf32, #tpu.memory_space<hbm>> -> memref<1x512x64xf32, #tpu.memory_space<hbm>>
      %dma_start3A_182 = tpu.memref_squeeze %dma_start3A_181 : memref<1x512x64xf32, #tpu.memory_space<hbm>> -> memref<512x64xf32, #tpu.memory_space<hbm>>
      %dma_start3A_183 = arith.constant 0 : i32
      %dma_start3A_184 = arith.constant 0 : i32
      %dma_start3A_185 = tpu.memref_slice %arg6[%dma_start3A_169, %dma_start3A_183, %dma_start3A_184] : memref<2x512x64xf32, #tpu.memory_space<vmem>> -> memref<1x512x64xf32, #tpu.memory_space<vmem>>
      %dma_start3A_186 = tpu.memref_squeeze %dma_start3A_185 : memref<1x512x64xf32, #tpu.memory_space<vmem>> -> memref<512x64xf32, #tpu.memory_space<vmem>>
      tpu.enqueue_dma source(%dma_start3A_186 : memref<512x64xf32, #tpu.memory_space<vmem>>) target(%dma_start3A_182 : memref<512x64xf32, #tpu.memory_space<hbm>>) target_semaphore(%dma_start3A_179 : memref<!tpu.dma_semaphore, #tpu.memory_space<semaphore_mem>>)
      %jit3A_187 = arith.constant 32 : i32
      %div3A_188 = arith.divsi %add3A_11, %jit3A_187 : i32
      %sign3A_189 = arith.constant 0 : i32
      %sign3A_190 = arith.cmpi sgt, %add3A_11, %sign3A_189 : i32
      %sign3A_191 = arith.extui %sign3A_190 : i1 to i32
      %sign3A_192 = arith.constant 0 : i32
      %sign3A_193 = arith.cmpi slt, %add3A_11, %sign3A_192 : i32
      %sign3A_194 = arith.extui %sign3A_193 : i1 to i32
      %sign3A_195 = arith.subi %sign3A_191, %sign3A_194 : i32
      %sign3A_196 = arith.constant 0 : i32
      %sign3A_197 = arith.cmpi sgt, %jit3A_187, %sign3A_196 : i32
      %sign3A_198 = arith.extui %sign3A_197 : i1 to i32
      %sign3A_199 = arith.constant 0 : i32
      %sign3A_200 = arith.cmpi slt, %jit3A_187, %sign3A_199 : i32
      %sign3A_201 = arith.extui %sign3A_200 : i1 to i32
      %sign3A_202 = arith.subi %sign3A_198, %sign3A_201 : i32
      %ne3A_203 = arith.cmpi ne, %sign3A_195, %sign3A_202 : i32
      %rem3A_204 = arith.remsi %add3A_11, %jit3A_187 : i32
      %ne3A_205 = arith.constant 0 : i32
      %ne3A_206 = arith.cmpi ne, %rem3A_204, %ne3A_205 : i32
      %and3A_207 = arith.andi %ne3A_203, %ne3A_206 : i1
      %sub3A_208 = arith.constant 1 : i32
      %sub3A_209 = arith.subi %div3A_188, %sub3A_208 : i32
      %select_n3A_210 = arith.select %and3A_207, %sub3A_209, %div3A_188 : i32
      %jit3A_211 = arith.constant 32 : i32
      %eq3A_212 = arith.constant 0 : i32
      %eq3A_213 = arith.cmpi eq, %jit3A_211, %eq3A_212 : i32
      %jit3A_214 = arith.constant 1 : i32
      %select_n3A_215 = arith.select %eq3A_213, %jit3A_214, %jit3A_211 : i32
      %rem3A_216 = arith.remsi %add3A_11, %select_n3A_215 : i32
      %ne3A_217 = arith.constant 0 : i32
      %ne3A_218 = arith.cmpi ne, %rem3A_216, %ne3A_217 : i32
      %lt3A_219 = arith.constant 0 : i32
      %lt3A_220 = arith.cmpi slt, %rem3A_216, %lt3A_219 : i32
      %lt3A_221 = arith.constant 0 : i32
      %lt3A_222 = arith.cmpi slt, %select_n3A_215, %lt3A_221 : i32
      %ne3A_223 = arith.xori %lt3A_220, %lt3A_222 : i1
      %and3A_224 = arith.andi %ne3A_223, %ne3A_218 : i1
      %add3A_225 = arith.addi %rem3A_216, %select_n3A_215 : i32
      %select_n3A_226 = arith.select %and3A_224, %add3A_225, %rem3A_216 : i32
      %mul3A_227 = arith.constant 512 : i32
      %mul3A_228 = arith.muli %select_n3A_226, %mul3A_227 : i32
      %dma_wait3A_229 = arith.constant 0 : i32
      %dma_wait3A_230 = arith.constant 0 : i32
      %dma_wait3A_231 = arith.constant 0 : i32
      %dma_wait3A_232 = arith.constant 0 : i32
      %dma_wait3A_233 = tpu.memref_slice %arg6[%dma_wait3A_229, %dma_wait3A_231, %dma_wait3A_232] : memref<2x512x64xf32, #tpu.memory_space<vmem>> -> memref<1x512x64xf32, #tpu.memory_space<vmem>>
      %dma_wait3A_234 = tpu.memref_squeeze %dma_wait3A_233 : memref<1x512x64xf32, #tpu.memory_space<vmem>> -> memref<512x64xf32, #tpu.memory_space<vmem>>
      %dma_wait3A_235 = arith.constant 0 : i32
      %dma_wait3A_236 = tpu.memref_slice %arg4[%select_n3A_210, %mul3A_228, %dma_wait3A_235] : memref<50x16384x64xf32, #tpu.memory_space<hbm>> -> memref<1x512x64xf32, #tpu.memory_space<hbm>>
      %dma_wait3A_237 = tpu.memref_squeeze %dma_wait3A_236 : memref<1x512x64xf32, #tpu.memory_space<hbm>> -> memref<512x64xf32, #tpu.memory_space<hbm>>
      %dma_wait3A_238 = tpu.memref_slice %arg8[%dma_wait3A_230] : memref<2x!tpu.dma_semaphore, #tpu.memory_space<semaphore_mem>> -> memref<1x!tpu.dma_semaphore, #tpu.memory_space<semaphore_mem>>
      %dma_wait3A_239 = tpu.memref_squeeze %dma_wait3A_238 : memref<1x!tpu.dma_semaphore, #tpu.memory_space<semaphore_mem>> -> memref<!tpu.dma_semaphore, #tpu.memory_space<semaphore_mem>>
      %dma_wait3A_240 = arith.constant 0 : i32
      %dma_wait3A_241 = tpu.memref_slice %arg4[%select_n3A_210, %mul3A_228, %dma_wait3A_240] : memref<50x16384x64xf32, #tpu.memory_space<hbm>> -> memref<1x512x64xf32, #tpu.memory_space<hbm>>
      %dma_wait3A_242 = tpu.memref_squeeze %dma_wait3A_241 : memref<1x512x64xf32, #tpu.memory_space<hbm>> -> memref<512x64xf32, #tpu.memory_space<hbm>>
      %dma_wait3A_243 = arith.constant 0 : i32
      %dma_wait3A_244 = arith.constant 0 : i32
      %dma_wait3A_245 = tpu.memref_slice %arg6[%dma_wait3A_229, %dma_wait3A_243, %dma_wait3A_244] : memref<2x512x64xf32, #tpu.memory_space<vmem>> -> memref<1x512x64xf32, #tpu.memory_space<vmem>>
      %dma_wait3A_246 = tpu.memref_squeeze %dma_wait3A_245 : memref<1x512x64xf32, #tpu.memory_space<vmem>> -> memref<512x64xf32, #tpu.memory_space<vmem>>
      tpu.wait_dma2 semaphore(%dma_wait3A_239 : memref<!tpu.dma_semaphore, #tpu.memory_space<semaphore_mem>>) src(%dma_wait3A_246 : memref<512x64xf32, #tpu.memory_space<vmem>>) dst(%dma_wait3A_242 : memref<512x64xf32, #tpu.memory_space<hbm>>)
      %jit3A_247 = arith.constant 32 : i32
      %div3A_248 = arith.divsi %add3A_13, %jit3A_247 : i32
      %sign3A_249 = arith.constant 0 : i32
      %sign3A_250 = arith.cmpi sgt, %add3A_13, %sign3A_249 : i32
      %sign3A_251 = arith.extui %sign3A_250 : i1 to i32
      %sign3A_252 = arith.constant 0 : i32
      %sign3A_253 = arith.cmpi slt, %add3A_13, %sign3A_252 : i32
      %sign3A_254 = arith.extui %sign3A_253 : i1 to i32
      %sign3A_255 = arith.subi %sign3A_251, %sign3A_254 : i32
      %sign3A_256 = arith.constant 0 : i32
      %sign3A_257 = arith.cmpi sgt, %jit3A_247, %sign3A_256 : i32
      %sign3A_258 = arith.extui %sign3A_257 : i1 to i32
      %sign3A_259 = arith.constant 0 : i32
      %sign3A_260 = arith.cmpi slt, %jit3A_247, %sign3A_259 : i32
      %sign3A_261 = arith.extui %sign3A_260 : i1 to i32
      %sign3A_262 = arith.subi %sign3A_258, %sign3A_261 : i32
      %ne3A_263 = arith.cmpi ne, %sign3A_255, %sign3A_262 : i32
      %rem3A_264 = arith.remsi %add3A_13, %jit3A_247 : i32
      %ne3A_265 = arith.constant 0 : i32
      %ne3A_266 = arith.cmpi ne, %rem3A_264, %ne3A_265 : i32
      %and3A_267 = arith.andi %ne3A_263, %ne3A_266 : i1
      %sub3A_268 = arith.constant 1 : i32
      %sub3A_269 = arith.subi %div3A_248, %sub3A_268 : i32
      %select_n3A_270 = arith.select %and3A_267, %sub3A_269, %div3A_248 : i32
      %jit3A_271 = arith.constant 32 : i32
      %eq3A_272 = arith.constant 0 : i32
      %eq3A_273 = arith.cmpi eq, %jit3A_271, %eq3A_272 : i32
      %jit3A_274 = arith.constant 1 : i32
      %select_n3A_275 = arith.select %eq3A_273, %jit3A_274, %jit3A_271 : i32
      %rem3A_276 = arith.remsi %add3A_13, %select_n3A_275 : i32
      %ne3A_277 = arith.constant 0 : i32
      %ne3A_278 = arith.cmpi ne, %rem3A_276, %ne3A_277 : i32
      %lt3A_279 = arith.constant 0 : i32
      %lt3A_280 = arith.cmpi slt, %rem3A_276, %lt3A_279 : i32
      %lt3A_281 = arith.constant 0 : i32
      %lt3A_282 = arith.cmpi slt, %select_n3A_275, %lt3A_281 : i32
      %ne3A_283 = arith.xori %lt3A_280, %lt3A_282 : i1
      %and3A_284 = arith.andi %ne3A_283, %ne3A_278 : i1
      %add3A_285 = arith.addi %rem3A_276, %select_n3A_275 : i32
      %select_n3A_286 = arith.select %and3A_284, %add3A_285, %rem3A_276 : i32
      %mul3A_287 = arith.constant 512 : i32
      %mul3A_288 = arith.muli %select_n3A_286, %mul3A_287 : i32
      %dma_wait3A_289 = arith.constant 1 : i32
      %dma_wait3A_290 = arith.constant 1 : i32
      %dma_wait3A_291 = arith.constant 0 : i32
      %dma_wait3A_292 = arith.constant 0 : i32
      %dma_wait3A_293 = tpu.memref_slice %arg6[%dma_wait3A_289, %dma_wait3A_291, %dma_wait3A_292] : memref<2x512x64xf32, #tpu.memory_space<vmem>> -> memref<1x512x64xf32, #tpu.memory_space<vmem>>
      %dma_wait3A_294 = tpu.memref_squeeze %dma_wait3A_293 : memref<1x512x64xf32, #tpu.memory_space<vmem>> -> memref<512x64xf32, #tpu.memory_space<vmem>>
      %dma_wait3A_295 = arith.constant 0 : i32
      %dma_wait3A_296 = tpu.memref_slice %arg4[%select_n3A_270, %mul3A_288, %dma_wait3A_295] : memref<50x16384x64xf32, #tpu.memory_space<hbm>> -> memref<1x512x64xf32, #tpu.memory_space<hbm>>
      %dma_wait3A_297 = tpu.memref_squeeze %dma_wait3A_296 : memref<1x512x64xf32, #tpu.memory_space<hbm>> -> memref<512x64xf32, #tpu.memory_space<hbm>>
      %dma_wait3A_298 = tpu.memref_slice %arg8[%dma_wait3A_290] : memref<2x!tpu.dma_semaphore, #tpu.memory_space<semaphore_mem>> -> memref<1x!tpu.dma_semaphore, #tpu.memory_space<semaphore_mem>>
      %dma_wait3A_299 = tpu.memref_squeeze %dma_wait3A_298 : memref<1x!tpu.dma_semaphore, #tpu.memory_space<semaphore_mem>> -> memref<!tpu.dma_semaphore, #tpu.memory_space<semaphore_mem>>
      %dma_wait3A_300 = arith.constant 0 : i32
      %dma_wait3A_301 = tpu.memref_slice %arg4[%select_n3A_270, %mul3A_288, %dma_wait3A_300] : memref<50x16384x64xf32, #tpu.memory_space<hbm>> -> memref<1x512x64xf32, #tpu.memory_space<hbm>>
      %dma_wait3A_302 = tpu.memref_squeeze %dma_wait3A_301 : memref<1x512x64xf32, #tpu.memory_space<hbm>> -> memref<512x64xf32, #tpu.memory_space<hbm>>
      %dma_wait3A_303 = arith.constant 0 : i32
      %dma_wait3A_304 = arith.constant 0 : i32
      %dma_wait3A_305 = tpu.memref_slice %arg6[%dma_wait3A_289, %dma_wait3A_303, %dma_wait3A_304] : memref<2x512x64xf32, #tpu.memory_space<vmem>> -> memref<1x512x64xf32, #tpu.memory_space<vmem>>
      %dma_wait3A_306 = tpu.memref_squeeze %dma_wait3A_305 : memref<1x512x64xf32, #tpu.memory_space<vmem>> -> memref<512x64xf32, #tpu.memory_space<vmem>>
      tpu.wait_dma2 semaphore(%dma_wait3A_299 : memref<!tpu.dma_semaphore, #tpu.memory_space<semaphore_mem>>) src(%dma_wait3A_306 : memref<512x64xf32, #tpu.memory_space<vmem>>) dst(%dma_wait3A_302 : memref<512x64xf32, #tpu.memory_space<hbm>>)
    }
    %scan3A_5 = arith.constant 25 : i32
    return
  }
}

</mosaic_0001>

<sc_bundles>
// kernel: _sc_gather.3.cloned.1.call-start
scs
__scs_entry_jumppad:
0x0: {  	(pc) =	sbr.rel $0x88, $3  }
0x1: {  	(tag) =	ssettag $0x0;
	lr =	simm.s32 $0x1  }
0x2: {  	[smem:$0x3F9F] =	sst lr;
	_ =	strace $0xD0000000  }
0x3: {  	_ = 	snop  }
0x4: {  	_ = 	snop  }
0x5: {  	_ = 	snop  }
0x6: {  	_ = 	snop  }
0x7: {  	_ = 	snop  }
__scs_overlays_trampoline_lowered:
0x8: {  	[smem:$0x3FAE] =	sst s0  }
0x9: {  	[smem:$0x3FAF] =	sst s1  }
0xa: {  	[smem:$0x3FB0] =	sst s2  }
0xb: {  	[smem:$0x3FB1] =	sst s3  }
0xc: {  	[smem:$0x3FB2] =	sst s4  }
0xd: {  	[smem:$0x3FB3] =	sst s5  }
0xe: {  	[smem:$0x3FB4] =	sst s6  }
0xf: {  	[smem:$0x3FB5] =	sst s7  }
0x10: {  	[smem:$0x3FB6] =	sst s8  }
0x11: {  	[smem:$0x3FB7] =	sst s9;
	s0 =	simm.s32 @!p0 $0x0  }
0x12: {  	s1 =	sld [smem:$0x3F9D];
	s0 =	simm.s32 @p0 $0x1  }
0x13: {  	[smem:$0x3FB8] =	sst s0;
	s0 =	simm.s32 @!p1 $0x0  }
0x14: {  	s2 =	sld [smem:$0x3F9C];
	s0 =	simm.s32 @p1 $0x1  }
0x15: {  	[smem:$0x3FB9] =	sst s0;
	s0 =	simm.s32 @!p2 $0x0  }
0x16: {  	s3 =	sld [smem:$0x3FDB];
	s0 =	simm.s32 @p2 $0x1  }
0x17: {  	s4 =	simm.s32 $0x1BF5;
	[smem:$0x3FBB] =	sst s0  }
0x18: {  	s0 =	sld [smem:$0x3F9E];
	_ =	swait.ge [sflag:s4], $0x0  }
0x19: {  	s7 =	sld [smem:$0x3F9F]  }
0x1a: {  	s8 =	sadd.s32 $0xFFFFE003, lr  }
0x1b: {  	s9 =	sadd.s32 $0xFFFFFEF7, lr;
	s5 =	simm.s32 $0xFFFFFFFF;
	p2 =	slt.u32 s8, $0xFFFFF086  }
0x1c: {  	p1 =	slt.u32 s9, $0xF7A;
	s5 =	simm.s32 @!p2 $0x0  }
0x1d: {  	s5 =	simm.s32 @p1 $0x1;
	p0 =	seq.s32 s7, s2  }
0x1e: {  	s7 =	smul.u32 @!p0 $0xF7A, s2;
	p2 =	seq.s32 @!p0 s5, $0x0  }
0x1f: {  	s9 =	smul.u32 $0xF7A, s1;
	s8 =	simm.s32 @!p0 $0x1BF5;
	p2 =	por !p2, p0  }
0x20: {  	[sflag:s8] =	ssyncset.s32 @!p0 $0xFFFFF086;
	s6 =	sadd.s32 @!p0 s3, s7;
	s7 =	simm.s32 @!p0 $0x108  }
0x21: {  	s3 =	sadd.s32 s3, s9;
	s6 =	sadd.s32 @!p0 $0x88, s6;
	s7 =	simm.s32 @p2 $0x1082  }
0x22: {  	[simem:s7], [sflag:s8] =	dma.local @!p0 [hbm:s6], $0xF7A  }
0x23: {  	s9 =	sor.u32 $0xD0000000, s2;
	s6 =	simm.s32 $0x108;
	_ =	swait.ge @!p0 [sflag:s8], $0x0  }
0x24: {  	s3 =	sadd.s32 $0x88, s3;
	s6 =	simm.s32 @!p1 $0x1082;
	[sflag:s4] =	ssyncset.s32 $0xFFFFF086  }
0x25: {  	[simem:s6], [sflag:s4] =	dma.local [hbm:s3], $0xF7A  }
0x26: {  	[smem:$0x3F9F] =	sst s1;
	(tag) =	ssettag s2;
	_ =	strace s9  }
0x27: {  	s1 =	sld [smem:$0x3FAF]  }
0x28: {  	s2 =	sld [smem:$0x3FB0]  }
0x29: {  	s4 =	sld [smem:$0x3FB2]  }
0x2a: {  	p0 =	seq.s32 s5, $0x0;
	s5 =	sld [smem:$0x3FB3]  }
0x2b: {  	s6 =	sld [smem:$0x3FB4]  }
0x2c: {  	s7 =	sld [smem:$0x3FB5]  }
0x2d: {  	s3 =	simm.s32 $0x108;
	s8 =	sld [smem:$0x3FB6]  }
0x2e: {  	s3 =	simm.s32 @!p0 $0x1082;
	s9 =	sld [smem:$0x3FB7]  }
0x2f: {  	lr =	sadd.s32 s0, s3;
	s0 =	sld [smem:$0x3FAE]  }
0x30: {  	s3 =	sld [smem:$0x3FB1]  }
0x31: {  	[smem:$0x3FBA] =	sst s10  }
0x32: {  	s10 =	sld [smem:$0x3FB8];
	_ =	sdelay $0x3  }
0x33: {  	p0 =	seq.s32 s10, $0x1;
	s10 =	sld [smem:$0x3FBA];
	_ =	sdelay $0x3  }
0x34: {  	[smem:$0x3FBA] =	sst s10  }
0x35: {  	s10 =	sld [smem:$0x3FB9];
	_ =	sdelay $0x3  }
0x36: {  	p1 =	seq.s32 s10, $0x1;
	s10 =	sld [smem:$0x3FBA];
	_ =	sdelay $0x3  }
0x37: {  	[smem:$0x3FBA] =	sst s10  }
0x38: {  	s10 =	sld [smem:$0x3FBB]  }
0x39: {  	_ = 	snop;
	(pc) =	sbr.ind lr, $3  }
0x3a: {  	_ = 	snop  }
0x3b: {  	_ = 	snop  }
0x3c: {  	p2 =	seq.s32 s10, $0x1;
	s10 =	sld [smem:$0x3FBA]  }
0x3d: {  	_ =	shalt  }
0x3e: {  	_ =	shalt  }
0x3f: {  	_ =	shalt  }
0x40: {  	_ =	shalt  }
0x41: {  	_ =	shalt  }
0x42: {  	_ =	shalt  }
0x43: {  	_ =	shalt  }
0x44: {  	_ =	shalt  }
0x45: {  	_ =	shalt  }
0x46: {  	_ =	shalt  }
0x47: {  	_ =	shalt  }
0x48: {  	_ =	shalt  }
0x49: {  	_ =	shalt  }
0x4a: {  	_ =	shalt  }
0x4b: {  	_ =	shalt  }
0x4c: {  	_ =	shalt  }
0x4d: {  	_ =	shalt  }
0x4e: {  	_ =	shalt  }
0x4f: {  	_ =	shalt  }
0x50: {  	_ =	shalt  }
0x51: {  	_ =	shalt  }
0x52: {  	_ =	shalt  }
0x53: {  	_ =	shalt  }
0x54: {  	_ =	shalt  }
0x55: {  	_ =	shalt  }
0x56: {  	_ =	shalt  }
0x57: {  	_ =	shalt  }
0x58: {  	_ =	shalt  }
0x59: {  	_ =	shalt  }
0x5a: {  	_ =	shalt  }
0x5b: {  	_ =	shalt  }
0x5c: {  	_ =	shalt  }
0x5d: {  	_ =	shalt  }
0x5e: {  	_ =	shalt  }
0x5f: {  	_ =	shalt  }
0x60: {  	_ =	shalt  }
0x61: {  	_ =	shalt  }
0x62: {  	_ =	shalt  }
0x63: {  	_ =	shalt  }
0x64: {  	_ =	shalt  }
0x65: {  	_ =	shalt  }
0x66: {  	_ =	shalt  }
0x67: {  	_ =	shalt  }
0x68: {  	_ =	shalt  }
0x69: {  	_ =	shalt  }
0x6a: {  	_ =	shalt  }
0x6b: {  	_ =	shalt  }
0x6c: {  	_ =	shalt  }
0x6d: {  	_ =	shalt  }
0x6e: {  	_ =	shalt  }
0x6f: {  	_ =	shalt  }
0x70: {  	_ =	shalt  }
0x71: {  	_ =	shalt  }
0x72: {  	_ =	shalt  }
0x73: {  	_ =	shalt  }
0x74: {  	_ =	shalt  }
0x75: {  	_ =	shalt  }
0x76: {  	_ =	shalt  }
0x77: {  	_ =	shalt  }
0x78: {  	_ =	shalt  }
0x79: {  	_ =	shalt  }
0x7a: {  	_ =	shalt  }
0x7b: {  	_ =	shalt  }
0x7c: {  	_ =	shalt  }
0x7d: {  	_ =	shalt  }
0x7e: {  	_ =	shalt  }
0x7f: {  	_ =	shalt  }
0x80: {  	_ =	shalt  }
0x81: {  	_ =	shalt  }
0x82: {  	_ =	shalt  }
0x83: {  	_ =	shalt  }
0x84: {  	_ =	shalt  }
0x85: {  	_ =	shalt  }
0x86: {  	_ =	shalt  }
0x87: {  	_ =	shalt  }
.Lfunc_end0:
.L_simem_size_0:
called_computation.1_lowered:
.L_overlay_start_0:
0x88: {  	s2 =	sld [smem:$0x3FD9]  }
0x89: {  	s3 =	sld [smem:$0x3FFE];
	_ =	sdelay $0x1  }
0x8a: {  	s1 =	srdreg.scid  }
0x8b: {  	s0 =	sand.u32 $0x1, s1  }
0x8c: {  	s17 =	sshll.u32 s0, $0xA;
	s2 =	sadd.s32 s3, s2  }
0x8d: {  	s2 =	sadd.s32 s2, s17  }
0x8e: {  	[smem:$0x3FC6] =	sst s2  }
0x8f: {  	_ = 	snop  }
0x90: {  	s2 =	sld [smem:$0x3FC8]  }
0x91: {  	s18 =	sld [smem:$0x3FD0];
	(tm) =	ssettm $0x1  }
0x92: {  	s4 =	sld [smem:$0x3FFB];
	_ =	sdelay $0x3  }
0x93: {  	_ =	strace s4  }
0x94: {  	s4 =	sld [smem:$0x3FFC];
	_ =	sdelay $0x3  }
0x95: {  	_ =	strace s4  }
0x96: {  	s4 =	sld [smem:$0x3FFD];
	_ =	sdelay $0x3  }
0x97: {  	_ =	strace s4  }
0x98: {  	_ =	strace $0x8FFFFFFF  }
0x99: {  	s19 =	sld [smem:$0x3FDB];
	_ =	sdelay $0x1  }
0x9a: {  	s5 =	simm.s32 $_scs_section_size  }
0x9b: {  	s6 =	simm.s32 $_size__tile_overlayer_lowered;
	s7 =	simm.s32 $_tile_overlayer_lowered  }
0x9c: {  	s22 =	simm.s32 $0x1BFF;
	s21 =	sshll.u32 s7, $0x1;
	s4 =	sadd.s32 s5, s19  }
0x9d: {  	s8 =	simm.s32 $0x0;
	s20 =	sshll.u32 s6, $0x1;
	s6 =	sadd.s32 s21, s4  }
0x9e: {  	[timem:s8], [sflag:s22] =	dma.local [hbm:s6], s20  }
0x9f: {  	_ =	swait.ge [sflag:s22], s20  }
0xa0: {  	s5 =	ssub.s32 $0x0, s20;
	[sflag:s22] =	ssyncset.done $0x0  }
0xa1: {  	[sflag:s22] =	ssyncadd.s32 s5;
	_ =	sdelay $0x1  }
0xa2: {  	s23 =	simm.s32 $0x1B8B  }
0xa3: {  	_ =	swait.ge [sflag:s23], $0x1  }
0xa4: {  	[sflag:s23] =	ssyncset.done $0x0  }
0xa5: {  	s25 =	simm.s32 $0x1B8E;
	s24 =	sld [smem:$0x3FFE];
	[sflag:s23] =	ssyncadd.s32 $0xFFFFFFFF  }
0xa6: {  	s26 =	simm.s32 $execute0_lowered;
	[smem:$0x3FD2] =	sst s25  }
0xa7: {  	s6 =	sshll.u32 s26, $0x1;
	_ =	strace $0x80000046;
	[dreg:$0x1] =	wrdreg $0xFFFFFFFF  }
0xa8: {  	s28 =	simm.s32 $_size_execute0_lowered;
	s4 =	sadd.s32 s4, s6;
	[dreg:$0x0] =	wrdreg $0x0  }
0xa9: {  	s6 =	sshll.u32 s28, $0x1;
	[dreg:$0x2] =	wrdreg s4  }
0xaa: {  	[dreg:$0x3] =	wrdreg s6  }
0xab: {  	[dreg:$0x4] =	wrdreg $0xC0  }
0xac: {  	_ =	task [dreg:s8], $0x5FFFF  }
0xad: {  	[dreg:$0x1] =	wrdreg $0xFFFFFFFF  }
0xae: {  	[dreg:$0x0] =	wrdreg $0x60  }
0xaf: {  	[dreg:$0x2] =	wrdreg s24  }
0xb0: {  	[dreg:$0x3] =	wrdreg s2  }
0xb1: {  	[dreg:$0x4] =	wrdreg s18  }
0xb2: {  	[dreg:$0x5] =	wrdreg $0x9  }
0xb3: {  	_ =	task.clear_ibuf [dreg:s8], $0x6FFFF;
	_ =	strace $0x90000046  }
0xb4: {  	s29 =	simm.s32 $0x9;
	_ =	strace $0x80000048  }
0xb5: {  	_ =	swait.ge [sflag:s29], $0x1  }
0xb6: {  	[sflag:s29] =	ssyncadd.s32 $0xFFFFFFFF  }
0xb7: {  	_ =	strace $0x90000048  }
0xb8: {  	_ =	sfence  }
0xb9: {  	s30 =	sld [smem:$0x0];
	_ =	sdelay $0x2  }
0xba: {  	s31 =	sshll.u32 s1, $0xD;
	s1 =	sshrl.u32 s1, $0x2  }
0xbb: {  	s3 =	sand.u32 $0x4000, s31;
	s1 =	sadd.s32 s1, s30  }
0xbc: {  	s0 =	sor.u32 s3, s0;
	s1 =	sshll.u32 s1, $0x11  }
0xbd: {  	s0 =	sor.u32 s1, s0  }
0xbe: {  	s0 =	sadd.s32 $0x8F2B, s0  }
0xbf: {  	[sflag:s0] =	ssyncadd.remote.s32 $0x1  }
0xc0: {  	_ =	sfence.sel $0xFFFF  }
0xc1: {  	[dreg:$0x0] =	wrdreg $0xFFFFFFFF;
	(pc) =	sbr.abs _section_cstart, $3  }
0xc2: {  	[dreg:$0x1] =	wrdreg $0xFFFFFFFF  }
0xc3: {  	_ =	task.clear_ibuf [dreg:s8], $0x2FFFF;
	_ =	strace $0x9FFFFFFF  }
0xc4: {  	(tm) =	ssettm $0x7FFFFFFF  }
0xc5: {  	_ =	shalt  }
tec
execute0_lowered:
.L_overlay_start_1:
0x0: {  	(tag) =	ssettag $0x1  }
0x1: {  	s2 =	rddreg [dreg:$0x0]  }
0x2: {  	s5 =	rddreg [dreg:$0x1]  }
0x3: {  	s6 =	rddreg [dreg:$0x2]  }
0x4: {  	s3 =	srdreg.scid;
	s0 =	rddreg [dreg:$0x3]  }
0x5: {  	s1 =	simm.s32 $0x0;
	s12 =	simm.s32 $0x1;
	s13 =	simm.s32 $0x2  }
0x6: {  	s14 =	simm.s32 $0x3;
	s15 =	simm.s32 $0x4;
	s16 =	simm.s32 $0x0  }
0x7: {  	s4 =	sand.u32 $0x1, s3;
	[smem:$0x7FF] =	sst s1;
	s3 =	sadd.s32 $0xF42C00, s2  }
0x8: {  	s2 =	stileid.u32;
	s7 =	ssub.s32 $0x2, s4;
	_ =	strace $0x80000047  }
0x9: {  	s30 =	sshll.u32 s2, $0xD;
	s9 =	sshll.u32 s2, $0x7;
	s10 =	sshll.u32 s4, $0x6  }
0xa: {  	s11 =	sshll.u32 s4, $0xC;
	s8 =	sshrl.u32 s7, $0x1;
	s31 =	sor.u32 s10, s9  }
0xb: {  	s9 =	sadd.s32 s9, s5;
	s6 =	sadd.s32 s30, s6;
	s7 =	ssub.s32 s7, s8  }
0xc: {  	s6 =	sadd.s32 s11, s6;
	s8 =	simm.s32 $0x5;
	s11 =	simm.s32 $0x8400  }
0xd: {  	s4 =	smax.u32 s7, $0x1;
	s7 =	sadd.s32 s31, s5;
	s5 =	sadd.s32 s10, s9  }
0xe: {  	s9 =	simm.s32 $0x200;
	s10 =	simm.s32 $0x400;
	s7 =	sadd.s32 $0x800, s7  }
.LBB2_1:
0xf: {  	s17 =	sadd.s32 $0x0, s5  }
0x10: {  	[tilespmem:s1], [sflag:$0x5] =	stream.linear.gather [hbm4b:s17+s1], $0x200, $0x38;
	[tilespmem:$0x10400] =	vst v63  }
0x11: {  	_ =	swait.ge [sflag:s8], $0x200  }
0x12: {  	[sflag:s8] =	ssyncset.done $0x0  }
0x13: {  	[sflag:s8] =	ssyncadd.s32 $0xFFFFFE00  }
0x14: {  	[tilespmem:s10], [sflag:$0x1] =	stream.indirect.gather [hbm4b:s3+s9], $0x40, s1, s9, $0xb8;
	[tilespmem:$0x10400] =	vst v63  }
0x15: {  	s30 =	sadd.s32 $0x0, s7  }
0x16: {  	[tilespmem:s9], [sflag:$0x5] =	stream.linear.gather [hbm4b:s30+s1], $0x200, $0x38;
	[tilespmem:$0x10400] =	vst v63  }
0x17: {  	_ =	swait.ge [sflag:s8], $0x200  }
0x18: {  	[sflag:s8] =	ssyncset.done $0x0  }
0x19: {  	[sflag:s8] =	ssyncadd.s32 $0xFFFFFE00  }
0x1a: {  	[tilespmem:s11], [sflag:$0x2] =	stream.indirect.gather [hbm4b:s3+s9], $0x40, s9, s9, $0xb8;
	[tilespmem:$0x10400] =	vst v63  }
0x1b: {  	_ =	swait.ge [sflag:s12], $0x8000  }
0x1c: {  	[sflag:s12] =	ssyncset.done $0x0  }
0x1d: {  	[sflag:s12] =	ssyncadd.s32 $0xFFFF8000  }
0x1e: {  	[hbm4b:s6+s1] =	stream.linear.scatter [tilespmem:s10], [sflag:$0x3], $0x8000, $0x38;
	[tilespmem:$0x10400] =	vst v63  }
0x1f: {  	_ =	swait.ge [sflag:s13], $0x8000  }
0x20: {  	[sflag:s13] =	ssyncset.done $0x0  }
0x21: {  	s31 =	sadd.s32 $0x20000, s6;
	[sflag:s13] =	ssyncadd.s32 $0xFFFF8000  }
0x22: {  	[hbm4b:s31+s1] =	stream.linear.scatter [tilespmem:s11], [sflag:$0x4], $0x8000, $0x38;
	[tilespmem:$0x10400] =	vst v63  }
0x23: {  	_ =	swait.ge [sflag:s14], $0x8000  }
0x24: {  	[sflag:s14] =	ssyncset.done $0x0  }
0x25: {  	[sflag:s14] =	ssyncadd.s32 $0xFFFF8000  }
0x26: {  	s18 =	simm.s32 $0x1000;
	_ =	swait.ge [sflag:s15], $0x8000  }
0x27: {  	s19 =	simm.s32 $0x2000;
	s17 =	sadd.s32 $0x40000, s6;
	[sflag:s15] =	ssyncset.done $0x0  }
.LBB2_2:
0x28: {  	s20 =	sadd.s32 s18, s5  }
0x29: {  	[sflag:s15] =	ssyncadd.s32 $0xFFFF8000;
	s21 =	smov.u32 s19;
	s22 =	sadd.s32 $0x1000, s19  }
0x2a: {  	[tilespmem:s1], [sflag:$0x5] =	stream.linear.gather [hbm4b:s20+s1], $0x200, $0x38;
	[tilespmem:$0x10400] =	vst v63  }
0x2b: {  	p0 =	sne.s32 s19, $0x18000;
	_ =	swait.ge [sflag:s8], $0x200  }
0x2c: {  	[sflag:s8] =	ssyncset.done $0x0  }
0x2d: {  	[sflag:s8] =	ssyncadd.s32 $0xFFFFFE00  }
0x2e: {  	[tilespmem:s10], [sflag:$0x1] =	stream.indirect.gather [hbm4b:s3+s9], $0x40, s1, s9, $0xb8;
	[tilespmem:$0x10400] =	vst v63  }
0x2f: {  	s19 =	sadd.s32 s18, s7;
	s18 =	smov.u32 s21  }
0x30: {  	[tilespmem:s9], [sflag:$0x5] =	stream.linear.gather [hbm4b:s19+s1], $0x200, $0x38;
	[tilespmem:$0x10400] =	vst v63  }
0x31: {  	_ =	swait.ge [sflag:s8], $0x200  }
0x32: {  	[sflag:s8] =	ssyncset.done $0x0  }
0x33: {  	[sflag:s8] =	ssyncadd.s32 $0xFFFFFE00  }
0x34: {  	[tilespmem:s11], [sflag:$0x2] =	stream.indirect.gather [hbm4b:s3+s9], $0x40, s9, s9, $0xb8;
	[tilespmem:$0x10400] =	vst v63  }
0x35: {  	_ =	swait.ge [sflag:s12], $0x8000  }
0x36: {  	[sflag:s12] =	ssyncset.done $0x0  }
0x37: {  	[sflag:s12] =	ssyncadd.s32 $0xFFFF8000  }
0x38: {  	[hbm4b:s17+s1] =	stream.linear.scatter [tilespmem:s10], [sflag:$0x3], $0x8000, $0x38;
	[tilespmem:$0x10400] =	vst v63  }
0x39: {  	_ =	swait.ge [sflag:s13], $0x8000  }
0x3a: {  	[sflag:s13] =	ssyncset.done $0x0  }
0x3b: {  	s19 =	sadd.s32 $0x20000, s17;
	[sflag:s13] =	ssyncadd.s32 $0xFFFF8000  }
0x3c: {  	[hbm4b:s19+s1] =	stream.linear.scatter [tilespmem:s11], [sflag:$0x4], $0x8000, $0x38;
	[tilespmem:$0x10400] =	vst v63  }
.Ltmp0:
0x3d: {  	_ =	swait.ge [sflag:s14], $0x8000;
	(pc) =	sbr.rel @p0 .LBB2_2-.Ltmp0, $4  }
0x3e: {  	[sflag:s14] =	ssyncset.done $0x0  }
0x3f: {  	[sflag:s14] =	ssyncadd.s32 $0xFFFF8000  }
0x40: {  	_ =	swait.ge [sflag:s15], $0x8000  }
0x41: {  	s17 =	sadd.s32 $0x40000, s17;
	s19 =	smov.u32 s22;
	[sflag:s15] =	ssyncset.done $0x0  }
0x42: {  	s19 =	sadd.s32 s18, s5;
	[sflag:s15] =	ssyncadd.s32 $0xFFFF8000  }
0x43: {  	[tilespmem:s1], [sflag:$0x5] =	stream.linear.gather [hbm4b:s19+s1], $0x200, $0x38;
	[tilespmem:$0x10400] =	vst v63  }
0x44: {  	_ =	swait.ge [sflag:s8], $0x200  }
0x45: {  	[sflag:s8] =	ssyncset.done $0x0  }
0x46: {  	[sflag:s8] =	ssyncadd.s32 $0xFFFFFE00  }
0x47: {  	[tilespmem:s10], [sflag:$0x1] =	stream.indirect.gather [hbm4b:s3+s9], $0x40, s1, s9, $0xb8;
	[tilespmem:$0x10400] =	vst v63  }
0x48: {  	s30 =	sadd.s32 s18, s7  }
0x49: {  	[tilespmem:s9], [sflag:$0x5] =	stream.linear.gather [hbm4b:s30+s1], $0x200, $0x38;
	[tilespmem:$0x10400] =	vst v63  }
0x4a: {  	_ =	swait.ge [sflag:s8], $0x200  }
0x4b: {  	[sflag:s8] =	ssyncset.done $0x0  }
0x4c: {  	[sflag:s8] =	ssyncadd.s32 $0xFFFFFE00  }
0x4d: {  	[tilespmem:s11], [sflag:$0x2] =	stream.indirect.gather [hbm4b:s3+s9], $0x40, s9, s9, $0xb8;
	[tilespmem:$0x10400] =	vst v63  }
0x4e: {  	_ =	swait.ge [sflag:s12], $0x8000  }
0x4f: {  	[sflag:s12] =	ssyncset.done $0x0  }
0x50: {  	[sflag:s12] =	ssyncadd.s32 $0xFFFF8000  }
0x51: {  	[hbm4b:s17+s1] =	stream.linear.scatter [tilespmem:s10], [sflag:$0x3], $0x8000, $0x38;
	[tilespmem:$0x10400] =	vst v63  }
0x52: {  	_ =	swait.ge [sflag:s13], $0x8000  }
0x53: {  	[sflag:s13] =	ssyncset.done $0x0  }
0x54: {  	s31 =	sadd.s32 $0x20000, s17;
	s16 =	sadd.s32 $0x1, s16;
	[sflag:s13] =	ssyncadd.s32 $0xFFFF8000  }
0x55: {  	[hbm4b:s31+s1] =	stream.linear.scatter [tilespmem:s11], [sflag:$0x4], $0x8000, $0x38;
	[tilespmem:$0x10400] =	vst v63  }
0x56: {  	p0 =	sne.s32 s16, s4;
	_ =	swait.ge [sflag:s14], $0x8000  }
.Ltmp1:
0x57: {  	[sflag:s14] =	ssyncset.done $0x0;
	(pc) =	sbr.rel @p0 .LBB2_1-.Ltmp1, $4  }
0x58: {  	[sflag:s14] =	ssyncadd.s32 $0xFFFF8000  }
0x59: {  	_ =	swait.ge [sflag:s15], $0x8000  }
0x5a: {  	[sflag:s15] =	ssyncset.done $0x0  }
0x5b: {  	[sflag:s15] =	ssyncadd.s32 $0xFFFF8000  }
0x5c: {  	_ =	sfence.sel $0x180000  }
0x5d: {  	[bflag:$0x0] =	sbarrier.arrive $0xFFFF  }
0x5e: {  	p0 =	sne.s32 s2, $0x0;
	_ =	strace $0x90000047  }
0x5f: {  	s0 =	sadd.s32 @!p0 $0x100000, s0;
	[bflag:$0x2] =	sbarrier.arrive $0xFFFF  }
0x60: {  	[sflag:s0] =	ssyncadd.tile.s32 @!p0 $0x1;
	_ =	shalt  }
.Lfunc_end2:
_tile_overlayer_lowered:
.L_overlay_start_2:
0x61: {  	(tag) =	ssettag $0x2  }
0x62: {  	s0 =	rddreg [dreg:$0x0];
	s2 =	stileid.u32  }
0x63: {  	s1 =	rddreg [dreg:$0x1];
	p0 =	sne.s32 s2, $0x0  }
0x64: {  	s3 =	rddreg [dreg:$0x2];
	[bflag:$0x3] =	sbarrier.arrive $0xFFFF;
	s2 =	simm.s32 @!p0 $0x1C05  }
0x65: {  	[timem:s3], [sflag:s2] =	dma.local @!p0 [hbm:s0], s1  }
0x66: {  	s0 =	simm.s32 @!p0 $0x5  }
0x67: {  	_ =	swait.ge @!p0 [sflag:s0], s1  }
0x68: {  	s1 =	ssub.s32 @!p0 $0x0, s1;
	[sflag:s0] =	ssyncset.done @!p0 $0x0  }
0x69: {  	[sflag:s0] =	ssyncadd.s32 @!p0 s1  }
0x6a: {  	[bflag:$0x3] =	sbarrier.arrive $0xFFFF  }
0x6b: {  	_ =	shalt  }

// kernel: sparse-core-data-format-call.cloned.1.call-start
scs
called_computation_lowered:
.L_overlay_start_0:
0x0: {  	s2 =	sld [smem:$0x3FD9]  }
0x1: {  	s3 =	sld [smem:$0x3FFE];
	_ =	sdelay $0x1  }
0x2: {  	s1 =	srdreg.scid  }
0x3: {  	s0 =	sand.u32 $0x1, s1  }
0x4: {  	s18 =	sshll.u32 s0, $0xA;
	s2 =	sadd.s32 s3, s2  }
0x5: {  	s2 =	sadd.s32 s2, s18  }
0x6: {  	[smem:$0x3FC6] =	sst s2  }
0x7: {  	_ = 	snop  }
0x8: {  	s2 =	sld [smem:$0x3FD0];
	(tm) =	ssettm $0x1  }
0x9: {  	s19 =	sld [smem:$0x3FFB];
	_ =	sdelay $0x3  }
0xa: {  	_ =	strace s19  }
0xb: {  	s3 =	sld [smem:$0x3FFC];
	_ =	sdelay $0x3  }
0xc: {  	_ =	strace s3  }
0xd: {  	s3 =	sld [smem:$0x3FFD];
	_ =	sdelay $0x3  }
0xe: {  	_ =	strace s3  }
0xf: {  	_ =	strace $0x8FFFFFFF  }
0x10: {  	s20 =	sld [smem:$0x3FDB];
	_ =	sdelay $0x1  }
0x11: {  	s4 =	simm.s32 $_scs_section_size  }
0x12: {  	s5 =	simm.s32 $_size__tile_overlayer_lowered;
	s6 =	simm.s32 $_tile_overlayer_lowered  }
0x13: {  	s23 =	simm.s32 $0x1BFF;
	s22 =	sshll.u32 s6, $0x1;
	s3 =	sadd.s32 s4, s20  }
0x14: {  	s7 =	simm.s32 $0x0;
	s21 =	sshll.u32 s5, $0x1;
	s5 =	sadd.s32 s22, s3  }
0x15: {  	[timem:s7], [sflag:s23] =	dma.local [hbm:s5], s21  }
0x16: {  	_ =	swait.ge [sflag:s23], s21  }
0x17: {  	s4 =	ssub.s32 $0x0, s21;
	[sflag:s23] =	ssyncset.done $0x0  }
0x18: {  	[sflag:s23] =	ssyncadd.s32 s4;
	_ =	sdelay $0x1  }
0x19: {  	s24 =	simm.s32 $0x1B8B  }
0x1a: {  	_ =	swait.ge [sflag:s24], $0x1  }
0x1b: {  	[sflag:s24] =	ssyncset.done $0x0  }
0x1c: {  	s26 =	simm.s32 $0x1B8E;
	s25 =	sld [smem:$0x3FFE];
	[sflag:s24] =	ssyncadd.s32 $0xFFFFFFFF  }
0x1d: {  	s27 =	simm.s32 $execute0_lowered;
	[smem:$0x3FD2] =	sst s26  }
0x1e: {  	s5 =	sshll.u32 s27, $0x1;
	_ =	strace $0x80000049;
	[dreg:$0x1] =	wrdreg $0xFFFFFFFF  }
0x1f: {  	s28 =	simm.s32 $_size_execute0_lowered;
	s3 =	sadd.s32 s3, s5;
	[dreg:$0x0] =	wrdreg $0x0  }
0x20: {  	s5 =	sshll.u32 s28, $0x1;
	[dreg:$0x2] =	wrdreg s3  }
0x21: {  	[dreg:$0x3] =	wrdreg s5  }
0x22: {  	[dreg:$0x4] =	wrdreg $0xC0  }
0x23: {  	_ =	task [dreg:s7], $0x5FFFF  }
0x24: {  	[dreg:$0x1] =	wrdreg $0xFFFFFFFF  }
0x25: {  	[dreg:$0x0] =	wrdreg $0x60  }
0x26: {  	[dreg:$0x2] =	wrdreg s25  }
0x27: {  	[dreg:$0x3] =	wrdreg s2  }
0x28: {  	[dreg:$0x4] =	wrdreg $0x9  }
0x29: {  	_ =	task.clear_ibuf [dreg:s7], $0x5FFFF;
	_ =	strace $0x90000049  }
0x2a: {  	s29 =	simm.s32 $0x9;
	_ =	strace $0x8000004B  }
0x2b: {  	_ =	swait.ge [sflag:s29], $0x1  }
0x2c: {  	[sflag:s29] =	ssyncadd.s32 $0xFFFFFFFF  }
0x2d: {  	_ =	strace $0x9000004B  }
0x2e: {  	_ =	sfence  }
0x2f: {  	s30 =	sld [smem:$0x0];
	_ =	sdelay $0x2  }
0x30: {  	s31 =	sshll.u32 s1, $0xD;
	s1 =	sshrl.u32 s1, $0x2  }
0x31: {  	s3 =	sand.u32 $0x4000, s31;
	s1 =	sadd.s32 s1, s30  }
0x32: {  	s0 =	sor.u32 s3, s0;
	s1 =	sshll.u32 s1, $0x11  }
0x33: {  	s0 =	sor.u32 s1, s0  }
0x34: {  	s0 =	sadd.s32 $0x8F2B, s0  }
0x35: {  	[sflag:s0] =	ssyncadd.remote.s32 $0x1  }
0x36: {  	_ =	sfence.sel $0xFFFF  }
0x37: {  	[dreg:$0x0] =	wrdreg $0xFFFFFFFF;
	(pc) =	sbr.abs _section_cstart, $3  }
0x38: {  	[dreg:$0x1] =	wrdreg $0xFFFFFFFF  }
0x39: {  	_ =	task.clear_ibuf [dreg:s7], $0x2FFFF;
	_ =	strace $0x9FFFFFFF  }
0x3a: {  	(tm) =	ssettm $0x7FFFFFFF  }
0x3b: {  	_ =	shalt  }
tec
execute0_lowered:
.L_overlay_start_1:
0x0: {  	(tag) =	ssettag $0x1  }
0x1: {  	s0 =	srdreg.scid  }
0x2: {  	s1 =	sshll.u32 s0, $0x4  }
0x3: {  	s0 =	stileid.u32;
	s1 =	sand.u32 $0x10, s1  }
0x4: {  	s7 =	rddreg [dreg:$0x0];
	s1 =	sor.u32 s0, s1  }
0x5: {  	s4 =	simm.s32 $0x1;
	s8 =	simm.s32 $0x2;
	s2 =	sshll.u32 s1, $0x7  }
0x6: {  	s13 =	simm.s32 $0x0;
	s9 =	simm.s32 $0x20000;
	s1 =	ssub.s32 $0x4000, s2  }
0x7: {  	s14 =	simm.s32 $0x0;
	s11 =	simm.s32 $0x0;
	s3 =	sand.u32 $0xF80, s1  }
0x8: {  	s12 =	simm.s32 $0x0;
	s5 =	sshrl.u32 s1, $0xC;
	p0 =	sne.s32 s3, $0x0  }
.Ltmp0:
0x9: {  	s1 =	rddreg [dreg:$0x2];
	s4 =	simm.s32 @!p0 $0x0;
	(pc) =	sbr.rel .LBB1_1-.Ltmp0, $4  }
0xa: {  	s6 =	sadd.s32 $0x800, s7;
	s3 =	rddreg [dreg:$0x1];
	s5 =	sadd.s32 s4, s5  }
0xb: {  	_ =	strace $0x8000004A;
	s4 =	simm.s32 $0x1;
	s5 =	smul.u32 $0x19, s5  }
0xc: {  	s7 =	sadd.s32 $0x40800, s7;
	s10 =	smov.u32 s2;
	[sflag:s4] =	ssyncpa.u1 $0x0  }
0xd: {  	p0 =	por $0x0, $0x0;
	[sflag:s8] =	ssyncpa.u1 $0x0;
	s8 =	sadd.s32 $0x1, s5  }
.LBB1_7:
0xe: {  	s15 =	sadd.s32 $0x1000, s10  }
0xf: {  	s13 =	sadd.s32 $0x2, s11;
	s17 =	smov.u32 s11;
	p2 =	sgt.s32 s15, $0x3FFF  }
0x10: {  	s17 =	smov.u32 @p2 s13  }
0x11: {  	s15 =	smov.u32 @p2 s2;
	p2 =	sgt.s32 s17, $0x31  }
0x12: {  	s17 =	simm.s32 @p2 $0x0;
	p2 =	sne.s32 s12, s8  }
.Ltmp1:
0x13: {  	p1 =	slt.u32 s12, $0x2;
	(pc) =	sbr.rel @!p2 .LBB1_8-.Ltmp1, $4  }
0x14: {  	s16 =	simm.s32 @!p1 $0x2  }
0x15: {  	s14 =	smov.u32 s11;
	p0 =	por !p0, !p0;
	_ =	swait.ge @!p1 [sflag:s16], $0x4000  }
0x16: {  	s13 =	smov.u32 s10;
	[sflag:s16] =	ssyncset.done @!p1 $0x0;
	s10 =	smov.u32 s15  }
0x17: {  	s12 =	sadd.s32 $0x1, s12;
	[sflag:s16] =	ssyncadd.s32 @!p1 $0xFFFFC000;
	s11 =	smov.u32 s17  }
.LBB1_1:
0x18: {  	p1 =	sge.u32 s12, s5  }
0x19: {  	s15 =	sxor.u32 @!p1 $0xFFFFFFFF, s12;
	s16 =	sshll.u32 @!p1 s11, $0x12  }
0x1a: {  	s17 =	sshll.u32 @!p1 s10, $0x4;
	s19 =	simm.s32 @!p1 $0x40;
	s20 =	simm.s32 @!p1 $0x80  }
0x1b: {  	s15 =	sshll.u32 @!p1 s15, $0xE;
	s17 =	sand.u32 @!p1 $0x3FFF0, s17;
	s18 =	sadd.s32 @!p1 s6, s16  }
0x1c: {  	s16 =	sadd.s32 @!p1 s16, s7;
	s15 =	sand.u32 @!p1 $0x4000, s15;
	s18 =	sadd.s32 @!p1 s17, s18  }
0x1d: {  	[tilespmem:s15], [sflag:$0x1] =	stream.strided.gather @!p1 [hbm4b:s18+s19], $0x2000, s20, s19, $0x38;
	[tilespmem:$0x10100] =	vst v63  }
0x1e: {  	s31 =	sadd.s32 $0xFFFFFFFF, s12;
	s16 =	sadd.s32 @!p1 s17, s16;
	s15 =	sor.u32 @!p1 $0x2000, s15  }
0x1f: {  	[tilespmem:s15], [sflag:$0x1] =	stream.strided.gather @!p1 [hbm4b:s16+s19], $0x2000, s20, s19, $0x38;
	[tilespmem:$0x10100] =	vst v63  }
0x20: {  	p1 =	sge.u32 s31, s5  }
.Ltmp2:
0x21: {  	_ = 	snop;
	(pc) =	sbr.rel @p1 .LBB1_7-.Ltmp2, $1  }
0x22: {  	_ =	sdelay $0x3  }
0x23: {  	s15 =	simm.s32 $0x1;
	s17 =	sand.u32 $0x1, s12  }
0x24: {  	_ =	swait.ge [sflag:s4], $0x4000;
	s15 =	simm.s32 @!p0 $0x0;
	s17 =	smul.u32 $0x10200, s17  }
0x25: {  	p2 =	por $0x1, $0x1;
	[sflag:s4] =	ssyncset.done $0x0;
	s16 =	smul.u32 $0x10200, s15  }
0x26: {  	s18 =	sshll.u32 s15, $0x10;
	[sflag:s4] =	ssyncadd.s32 $0xFFFFC000;
	s30 =	sshrl.u32 s17, $0x2  }
0x27: {  	s31 =	sshrl.u32 s18, $0x2;
	s18 =	simm.s32 $0x0;
	s16 =	sshrl.u32 s16, $0x2  }
0x28: {  	s15 =	sor.u32 $0x8000, s30;
	s17 =	sadd.s32 $0x20, s31;
	s16 =	sor.u32 $0x8000, s16  }
.LBB1_3:
0x29: {  	s19 =	sshll.u32 s18, $0xD  }
0x2a: {  	s19 =	sand.u32 $0x3FFFE000, s19  }
0x2b: {  	s21 =	sadd.s32 s19, s17  }
0x2c: {  	s31 =	smul.u32 $0x8100, s18;
	v3 =	vld [tilespmem:s21+$0x10]  }
0x2d: {  	v1 =	vld [tilespmem:s21+$0xFFFFFFF0]  }
0x2e: {  	s18 =	sshra.s32 s31, $0x2;
	v0 =	vld [tilespmem:s21+$0x0]  }
0x2f: {  	s18 =	sadd.s32 s18, s16;
	v2 =	vld [tilespmem:s21+$0xFFFFFFE0]  }
0x30: {  	s19 =	sadd.s32 $0x0, s18  }
0x31: {  	p1 =	por p2, p2;
	s20 =	simm.s32 $0x4;
	s21 =	sadd.s32 $0x40, s21;
	[tilespmem:s19+$0x1830 ss:$0x81] =	vst.msk $0xffff, v3  }
.LBB1_4:
0x32: {  	v3 =	vld [tilespmem:s21+$0x10];
	p2 =	sne.s32 s20, $0x1FC;
	[tilespmem:s19+$0x810 ss:$0x81] =	vst.msk $0xffff, v1;
	s22 =	smov.u32 s20;
	s20 =	sadd.s32 $0x4, s20  }
.Ltmp3:
0x33: {  	v1 =	vld [tilespmem:s21+$0xFFFFFFF0];
	[tilespmem:s19+$0x1020 ss:$0x81] =	vst.msk $0xffff, v0;
	(pc) =	sbr.rel @p2 .LBB1_4-.Ltmp3, $4  }
0x34: {  	v0 =	vld [tilespmem:s21+$0x0];
	[tilespmem:s19+$0x0 ss:$0x81] =	vst.msk $0xffff, v2  }
0x35: {  	s19 =	sshra.s32 s22, $0x2;
	v2 =	vld [tilespmem:s21+$0xFFFFFFE0]  }
0x36: {  	s19 =	sadd.s32 s19, s18  }
0x37: {  	s21 =	sadd.s32 $0x40, s21;
	[tilespmem:s19+$0x1830 ss:$0x81] =	vst.msk $0xffff, v3  }
.Ltmp4:
0x38: {  	(pc) =	sbr.rel @p1 .LBB1_3-.Ltmp4, $4  }
0x39: {  	_ = 	snop  }
0x3a: {  	[tilespmem:s19+$0x810 ss:$0x81] =	vst.msk $0xffff, v1  }
0x3b: {  	[tilespmem:s19+$0x1020 ss:$0x81] =	vst.msk $0xffff, v0  }
0x3c: {  	s18 =	simm.s32 $0x1;
	p2 =	por $0x0, $0x0;
	[tilespmem:s19+$0x0 ss:$0x81] =	vst.msk $0xffff, v2  }
0x3d: {  	s16 =	sshll.u32 s13, $0x3;
	s17 =	sand.u32 $0x78, s13;
	s14 =	sshll.u32 s14, $0x11  }
.Ltmp5:
0x3e: {  	s30 =	sand.u32 $0x1F800, s13;
	s16 =	sand.u32 $0x3C00, s16;
	(pc) =	sbr.rel .LBB1_7-.Ltmp5, $4  }
0x3f: {  	s31 =	sand.u32 $0x7, s13;
	s14 =	sadd.s32 s3, s14;
	s16 =	sor.u32 s17, s16  }
0x40: {  	s13 =	sshll.u32 s31, $0x12;
	s14 =	sadd.s32 s30, s14;
	s16 =	sshrl.u32 s16, $0x3  }
0x41: {  	s13 =	sor.u32 $0x400, s13;
	s14 =	sadd.s32 s16, s14  }
0x42: {  	[hbm4b:s14+s13] =	stream.strided.scatter [tilespmem:s15], [sflag:$0x2], $0x4000, s9, s13, $0x20;
	[tilespmem:$0x10100] =	vst v63  }
.LBB1_8:
0x43: {  	_ =	sfence.sel $0x180000  }
0x44: {  	s2 =	simm.s32 $0x1;
	[bflag:$0x0] =	sbarrier.arrive $0xFFFF  }
0x45: {  	s31 =	simm.s32 $0x2;
	[sflag:s2] =	ssyncpa.u1 $0x1  }
0x46: {  	[sflag:s31] =	ssyncpa.u1 $0x1  }
0x47: {  	p0 =	sne.s32 s0, $0x0;
	_ =	strace $0x9000004A  }
0x48: {  	s0 =	sadd.s32 @!p0 $0x100000, s1;
	[bflag:$0x2] =	sbarrier.arrive $0xFFFF  }
0x49: {  	[sflag:s0] =	ssyncadd.tile.s32 @!p0 $0x1;
	_ =	shalt  }
.Lfunc_end1:
_tile_overlayer_lowered:
.L_overlay_start_2:
0x4a: {  	(tag) =	ssettag $0x2  }
0x4b: {  	s0 =	rddreg [dreg:$0x0];
	s2 =	stileid.u32  }
0x4c: {  	s1 =	rddreg [dreg:$0x1];
	p0 =	sne.s32 s2, $0x0  }
0x4d: {  	s3 =	rddreg [dreg:$0x2];
	[bflag:$0x3] =	sbarrier.arrive $0xFFFF;
	s2 =	simm.s32 @!p0 $0x1C01  }
0x4e: {  	[timem:s3], [sflag:s2] =	dma.local @!p0 [hbm:s0], s1  }
0x4f: {  	s0 =	simm.s32 @!p0 $0x1  }
0x50: {  	_ =	swait.ge @!p0 [sflag:s0], s1  }
0x51: {  	s1 =	ssub.s32 @!p0 $0x0, s1;
	[sflag:s0] =	ssyncset.done @!p0 $0x0  }
0x52: {  	[sflag:s0] =	ssyncadd.s32 @!p0 s1  }
0x53: {  	[bflag:$0x3] =	sbarrier.arrive $0xFFFF  }
0x54: {  	_ =	shalt  }

</sc_bundles>
